<compile_context>
chip_gen: v7x
topology: tpu7x:2x2x1
jax: 0.10.2.dev20260603
libtpu: 0.0.44.dev20260713+nightly
codegen_flags: <defaults>
</compile_context>

<pallas_src>
import functools

import jax
import jax.numpy as jnp
from jax import lax
from jax.experimental import pallas as pl
from jax.experimental.pallas import tpu as pltpu
from jax.experimental.pallas import tpu_sc as plsc

VOCAB = 100000
EMBED_DIM = 16
BATCH = 1024

_NC = 2
_NS = 16
_NW = _NC * _NS
_B_PER_W = BATCH // _NW

_TILE_M = 2304


@functools.partial(
    pl.kernel,
    mesh=plsc.VectorSubcoreMesh(core_axis_name="c", subcore_axis_name="s"),
    out_type=jax.ShapeDtypeStruct((BATCH * EMBED_DIM,), jnp.float32),
    scratch_types=[
        pltpu.VMEM((_B_PER_W,), jnp.int32),
        pltpu.VMEM((_B_PER_W * EMBED_DIM,), jnp.int32),
        pltpu.VMEM((_B_PER_W * EMBED_DIM,), jnp.float32),
        pltpu.SemaphoreType.DMA,
    ],
    compiler_params=pltpu.CompilerParams(
        use_tc_tiling_on_sc=False, needs_layout_passes=False
    ),
)
def _sc_gather(tflat_hbm, idx_hbm, out_hbm, idx_v, fidx_v, rows_v, sem):
    wid = lax.axis_index("s") * _NC + lax.axis_index("c")
    base = wid * _B_PER_W
    pltpu.sync_copy(idx_hbm.at[pl.ds(base, _B_PER_W)], idx_v)
    lane = lax.iota(jnp.int32, 16)
    for h in range(_B_PER_W // 16):
        v = idx_v[pl.ds(h * 16, 16)]
        pos = (lane + h * 16) * EMBED_DIM
        for d in range(EMBED_DIM):
            plsc.store_scatter(fidx_v, [pos + d], v + d * VOCAB)
    pltpu.async_copy(tflat_hbm.at[fidx_v], rows_v, sem).wait()
    pltpu.sync_copy(rows_v, out_hbm.at[pl.ds(base * EMBED_DIM, _B_PER_W * EMBED_DIM)])


def _proj_body(wt_ref, e_ref, b_ref, o_ref):
    o_ref[...] = lax.dot_general(
        wt_ref[...],
        e_ref[...],
        dimension_numbers=(((0,), (1,)), ((), ())),
        preferred_element_type=jnp.float32,
    ) + b_ref[...].T


def _tc_project(embeds, lin_w, lin_b):
    out_t = pl.pallas_call(
        _proj_body,
        grid=(pl.cdiv(VOCAB, _TILE_M),),
        in_specs=[
            pl.BlockSpec((EMBED_DIM, _TILE_M), lambda m: (0, m)),
            pl.BlockSpec((BATCH, EMBED_DIM), lambda m: (0, 0)),
            pl.BlockSpec((1, _TILE_M), lambda m: (0, m)),
        ],
        out_specs=pl.BlockSpec((_TILE_M, BATCH), lambda m: (m, 0)),
        out_shape=jax.ShapeDtypeStruct((VOCAB, BATCH), jnp.float32),
    )(lin_w.T, embeds, lin_b.reshape(1, VOCAB))
    return out_t.T


def kernel(inputs, emb_table, lin_w, lin_b):
    tflat = emb_table.T.reshape(VOCAB * EMBED_DIM)
    embeds = _sc_gather(tflat, inputs.astype(jnp.int32)).reshape(BATCH, EMBED_DIM)
    return _tc_project(embeds, lin_w, lin_b)

# --- scband reference (transcript-rebuilt; emitter-appended) ---
"""Pipeline reference for scband-skip-gram-model-87196426043903 (READ-ONLY COPY).

The authoritative reference and input builder live on the scoring server;
editing this copy changes nothing except your own understanding.
"""

import jax, jax.numpy as jnp
import numpy as np

VOCAB = 100000
EMBED_DIM = 16
BATCH = 1024

def setup_inputs(seed: int = 0) -> dict:
    key = jax.random.key(seed)
    k1, k2, k3, k4 = jax.random.split(key, 4)
    inputs = jax.random.randint(k1, (BATCH,), 0, VOCAB, dtype=jnp.int64 if jax.config.jax_enable_x64 else jnp.int32)
    emb_table = jax.random.normal(k2, (VOCAB, EMBED_DIM), dtype=jnp.float32)
    # torch nn.Linear(embedding_dim, vocab_size): weight [vocab, embed_dim], bias [vocab]
    bound = 1.0 / np.sqrt(EMBED_DIM)
    lin_w = jax.random.uniform(k3, (VOCAB, EMBED_DIM), dtype=jnp.float32, minval=-bound, maxval=bound)
    lin_b = jax.random.uniform(k4, (VOCAB,), dtype=jnp.float32, minval=-bound, maxval=bound)
    return {"inputs": inputs, "emb_table": emb_table, "lin_w": lin_w, "lin_b": lin_b}

def reference(inputs, emb_table, lin_w, lin_b):
    # embedding lookup (gather)
    embeds = jnp.take(emb_table, inputs, axis=0)            # [B, D]
    # linear: x @ W^T + b
    out = embeds @ lin_w.T + lin_b                           # [B, V]
    return out

if __name__ == "__main__":
    import jax
    _d = setup_inputs()
    print(jax.jit(kernel)(*tuple(_d.values())))

</pallas_src>

<mosaic_0001>
#map = affine_map<(d0, d1) -> (0)>
module attributes {stable_mosaic.version = 14 : i64} {
  func.func @_sc_gather(%arg0: i32, %arg1: i32, %arg2: memref<1600000xf32, #tpu.memory_space<hbm>>, %arg3: memref<1024xi32, #tpu.memory_space<hbm>>, %arg4: memref<16384xf32, #tpu.memory_space<hbm>>, %arg5: memref<32xi32, #tpu.memory_space<vmem>>, %arg6: memref<512xi32, #tpu.memory_space<vmem>>, %arg7: memref<512xf32, #tpu.memory_space<vmem>>, %arg8: memref<!tpu.dma_semaphore, #tpu.memory_space<semaphore_mem>>) attributes {dimension_semantics = [#tpu.dimension_semantics<core_parallel>, #tpu.dimension_semantics<subcore_parallel>], iteration_bounds = array<i64: 2, 16>, scalar_prefetch = 0 : i64, scratch_operands = 4 : i64, tpu.core_type = #tpu.core_type<sc_vector_subcore>, window_params = [{transform_indices = #map}, {transform_indices = #map}, {transform_indices = #map}]} {
    %mul3A = arith.constant 2 : i32
    %mul3A_0 = arith.muli %arg1, %mul3A : i32
    %add3A = arith.addi %mul3A_0, %arg0 : i32
    %mul3A_1 = arith.constant 32 : i32
    %mul3A_2 = arith.muli %add3A, %mul3A_1 : i32
    "tpu.region"() ({
      %run_scoped3A = tpu.sem_alloc : memref<!tpu.dma_semaphore, #tpu.memory_space<semaphore_mem>>
      %dma_start3A_214 = tpu.memref_slice %arg3[%mul3A_2] : memref<1024xi32, #tpu.memory_space<hbm>> -> memref<32xi32, #tpu.memory_space<hbm>>
      %dma_start3A_215 = tpu.memref_slice %arg3[%mul3A_2] : memref<1024xi32, #tpu.memory_space<hbm>> -> memref<32xi32, #tpu.memory_space<hbm>>
      tpu.enqueue_dma source(%dma_start3A_215 : memref<32xi32, #tpu.memory_space<hbm>>) target(%arg5 : memref<32xi32, #tpu.memory_space<vmem>>) target_semaphore(%run_scoped3A : memref<!tpu.dma_semaphore, #tpu.memory_space<semaphore_mem>>)
      %dma_wait3A_216 = tpu.memref_slice %arg3[%mul3A_2] : memref<1024xi32, #tpu.memory_space<hbm>> -> memref<32xi32, #tpu.memory_space<hbm>>
      %dma_wait3A_217 = tpu.memref_slice %arg3[%mul3A_2] : memref<1024xi32, #tpu.memory_space<hbm>> -> memref<32xi32, #tpu.memory_space<hbm>>
      tpu.wait_dma2 semaphore(%run_scoped3A : memref<!tpu.dma_semaphore, #tpu.memory_space<semaphore_mem>>) src(%dma_wait3A_217 : memref<32xi32, #tpu.memory_space<hbm>>) dst(%arg5 : memref<32xi32, #tpu.memory_space<vmem>>)
      tpu.yield
    }) : () -> ()
    %iota3A = tpu.iota {dimensions = array<i32: 0>} : vector<16xi32>
    %get3A = arith.constant 0 : index
    %get3A_3 = tpu.vector_load %arg5[%get3A] {strides = array<i32>} : memref<32xi32, #tpu.memory_space<vmem>>, vector<16xi32>,
    %add3A_4 = arith.constant 0 : i32
    %add3A_5 = vector.broadcast %add3A_4 : i32 to vector<16xi32>
    %add3A_6 = arith.addi %iota3A, %add3A_5 : vector<16xi32>
    %mul3A_7 = arith.constant 16 : i32
    %mul3A_8 = vector.broadcast %mul3A_7 : i32 to vector<16xi32>
    %mul3A_9 = arith.muli %add3A_6, %mul3A_8 : vector<16xi32>
    %add3A_10 = arith.constant 0 : i32
    %add3A_11 = vector.broadcast %add3A_10 : i32 to vector<16xi32>
    %add3A_12 = arith.addi %mul3A_9, %add3A_11 : vector<16xi32>
    %add3A_13 = arith.constant 0 : i32
    %add3A_14 = vector.broadcast %add3A_13 : i32 to vector<16xi32>
    %add3A_15 = arith.addi %get3A_3, %add3A_14 : vector<16xi32>
    tpu.vector_store_idx %arg6[%add3A_12], %add3A_15 : memref<512xi32, #tpu.memory_space<vmem>>[vector<16xi32>], vector<16xi32>,
    %add3A_16 = arith.constant 1 : i32
    %add3A_17 = vector.broadcast %add3A_16 : i32 to vector<16xi32>
    %add3A_18 = arith.addi %mul3A_9, %add3A_17 : vector<16xi32>
    %add3A_19 = arith.constant 100000 : i32
    %add3A_20 = vector.broadcast %add3A_19 : i32 to vector<16xi32>
    %add3A_21 = arith.addi %get3A_3, %add3A_20 : vector<16xi32>
    tpu.vector_store_idx %arg6[%add3A_18], %add3A_21 : memref<512xi32, #tpu.memory_space<vmem>>[vector<16xi32>], vector<16xi32>,
    %add3A_22 = arith.constant 2 : i32
    %add3A_23 = vector.broadcast %add3A_22 : i32 to vector<16xi32>
    %add3A_24 = arith.addi %mul3A_9, %add3A_23 : vector<16xi32>
    %add3A_25 = arith.constant 200000 : i32
    %add3A_26 = vector.broadcast %add3A_25 : i32 to vector<16xi32>
    %add3A_27 = arith.addi %get3A_3, %add3A_26 : vector<16xi32>
    tpu.vector_store_idx %arg6[%add3A_24], %add3A_27 : memref<512xi32, #tpu.memory_space<vmem>>[vector<16xi32>], vector<16xi32>,
    %add3A_28 = arith.constant 3 : i32
    %add3A_29 = vector.broadcast %add3A_28 : i32 to vector<16xi32>
    %add3A_30 = arith.addi %mul3A_9, %add3A_29 : vector<16xi32>
    %add3A_31 = arith.constant 300000 : i32
    %add3A_32 = vector.broadcast %add3A_31 : i32 to vector<16xi32>
    %add3A_33 = arith.addi %get3A_3, %add3A_32 : vector<16xi32>
    tpu.vector_store_idx %arg6[%add3A_30], %add3A_33 : memref<512xi32, #tpu.memory_space<vmem>>[vector<16xi32>], vector<16xi32>,
    %add3A_34 = arith.constant 4 : i32
    %add3A_35 = vector.broadcast %add3A_34 : i32 to vector<16xi32>
    %add3A_36 = arith.addi %mul3A_9, %add3A_35 : vector<16xi32>
    %add3A_37 = arith.constant 400000 : i32
    %add3A_38 = vector.broadcast %add3A_37 : i32 to vector<16xi32>
    %add3A_39 = arith.addi %get3A_3, %add3A_38 : vector<16xi32>
    tpu.vector_store_idx %arg6[%add3A_36], %add3A_39 : memref<512xi32, #tpu.memory_space<vmem>>[vector<16xi32>], vector<16xi32>,
    %add3A_40 = arith.constant 5 : i32
    %add3A_41 = vector.broadcast %add3A_40 : i32 to vector<16xi32>
    %add3A_42 = arith.addi %mul3A_9, %add3A_41 : vector<16xi32>
    %add3A_43 = arith.constant 500000 : i32
    %add3A_44 = vector.broadcast %add3A_43 : i32 to vector<16xi32>
    %add3A_45 = arith.addi %get3A_3, %add3A_44 : vector<16xi32>
    tpu.vector_store_idx %arg6[%add3A_42], %add3A_45 : memref<512xi32, #tpu.memory_space<vmem>>[vector<16xi32>], vector<16xi32>,
    %add3A_46 = arith.constant 6 : i32
    %add3A_47 = vector.broadcast %add3A_46 : i32 to vector<16xi32>
    %add3A_48 = arith.addi %mul3A_9, %add3A_47 : vector<16xi32>
    %add3A_49 = arith.constant 600000 : i32
    %add3A_50 = vector.broadcast %add3A_49 : i32 to vector<16xi32>
    %add3A_51 = arith.addi %get3A_3, %add3A_50 : vector<16xi32>
    tpu.vector_store_idx %arg6[%add3A_48], %add3A_51 : memref<512xi32, #tpu.memory_space<vmem>>[vector<16xi32>], vector<16xi32>,
    %add3A_52 = arith.constant 7 : i32
    %add3A_53 = vector.broadcast %add3A_52 : i32 to vector<16xi32>
    %add3A_54 = arith.addi %mul3A_9, %add3A_53 : vector<16xi32>
    %add3A_55 = arith.constant 700000 : i32
    %add3A_56 = vector.broadcast %add3A_55 : i32 to vector<16xi32>
    %add3A_57 = arith.addi %get3A_3, %add3A_56 : vector<16xi32>
    tpu.vector_store_idx %arg6[%add3A_54], %add3A_57 : memref<512xi32, #tpu.memory_space<vmem>>[vector<16xi32>], vector<16xi32>,
    %add3A_58 = arith.constant 8 : i32
    %add3A_59 = vector.broadcast %add3A_58 : i32 to vector<16xi32>
    %add3A_60 = arith.addi %mul3A_9, %add3A_59 : vector<16xi32>
    %add3A_61 = arith.constant 800000 : i32
    %add3A_62 = vector.broadcast %add3A_61 : i32 to vector<16xi32>
    %add3A_63 = arith.addi %get3A_3, %add3A_62 : vector<16xi32>
    tpu.vector_store_idx %arg6[%add3A_60], %add3A_63 : memref<512xi32, #tpu.memory_space<vmem>>[vector<16xi32>], vector<16xi32>,
    %add3A_64 = arith.constant 9 : i32
    %add3A_65 = vector.broadcast %add3A_64 : i32 to vector<16xi32>
    %add3A_66 = arith.addi %mul3A_9, %add3A_65 : vector<16xi32>
    %add3A_67 = arith.constant 900000 : i32
    %add3A_68 = vector.broadcast %add3A_67 : i32 to vector<16xi32>
    %add3A_69 = arith.addi %get3A_3, %add3A_68 : vector<16xi32>
    tpu.vector_store_idx %arg6[%add3A_66], %add3A_69 : memref<512xi32, #tpu.memory_space<vmem>>[vector<16xi32>], vector<16xi32>,
    %add3A_70 = arith.constant 10 : i32
    %add3A_71 = vector.broadcast %add3A_70 : i32 to vector<16xi32>
    %add3A_72 = arith.addi %mul3A_9, %add3A_71 : vector<16xi32>
    %add3A_73 = arith.constant 1000000 : i32
    %add3A_74 = vector.broadcast %add3A_73 : i32 to vector<16xi32>
    %add3A_75 = arith.addi %get3A_3, %add3A_74 : vector<16xi32>
    tpu.vector_store_idx %arg6[%add3A_72], %add3A_75 : memref<512xi32, #tpu.memory_space<vmem>>[vector<16xi32>], vector<16xi32>,
    %add3A_76 = arith.constant 11 : i32
    %add3A_77 = vector.broadcast %add3A_76 : i32 to vector<16xi32>
    %add3A_78 = arith.addi %mul3A_9, %add3A_77 : vector<16xi32>
    %add3A_79 = arith.constant 1100000 : i32
    %add3A_80 = vector.broadcast %add3A_79 : i32 to vector<16xi32>
    %add3A_81 = arith.addi %get3A_3, %add3A_80 : vector<16xi32>
    tpu.vector_store_idx %arg6[%add3A_78], %add3A_81 : memref<512xi32, #tpu.memory_space<vmem>>[vector<16xi32>], vector<16xi32>,
    %add3A_82 = arith.constant 12 : i32
    %add3A_83 = vector.broadcast %add3A_82 : i32 to vector<16xi32>
    %add3A_84 = arith.addi %mul3A_9, %add3A_83 : vector<16xi32>
    %add3A_85 = arith.constant 1200000 : i32
    %add3A_86 = vector.broadcast %add3A_85 : i32 to vector<16xi32>
    %add3A_87 = arith.addi %get3A_3, %add3A_86 : vector<16xi32>
    tpu.vector_store_idx %arg6[%add3A_84], %add3A_87 : memref<512xi32, #tpu.memory_space<vmem>>[vector<16xi32>], vector<16xi32>,
    %add3A_88 = arith.constant 13 : i32
    %add3A_89 = vector.broadcast %add3A_88 : i32 to vector<16xi32>
    %add3A_90 = arith.addi %mul3A_9, %add3A_89 : vector<16xi32>
    %add3A_91 = arith.constant 1300000 : i32
    %add3A_92 = vector.broadcast %add3A_91 : i32 to vector<16xi32>
    %add3A_93 = arith.addi %get3A_3, %add3A_92 : vector<16xi32>
    tpu.vector_store_idx %arg6[%add3A_90], %add3A_93 : memref<512xi32, #tpu.memory_space<vmem>>[vector<16xi32>], vector<16xi32>,
    %add3A_94 = arith.constant 14 : i32
    %add3A_95 = vector.broadcast %add3A_94 : i32 to vector<16xi32>
    %add3A_96 = arith.addi %mul3A_9, %add3A_95 : vector<16xi32>
    %add3A_97 = arith.constant 1400000 : i32
    %add3A_98 = vector.broadcast %add3A_97 : i32 to vector<16xi32>
    %add3A_99 = arith.addi %get3A_3, %add3A_98 : vector<16xi32>
    tpu.vector_store_idx %arg6[%add3A_96], %add3A_99 : memref<512xi32, #tpu.memory_space<vmem>>[vector<16xi32>], vector<16xi32>,
    %add3A_100 = arith.constant 15 : i32
    %add3A_101 = vector.broadcast %add3A_100 : i32 to vector<16xi32>
    %add3A_102 = arith.addi %mul3A_9, %add3A_101 : vector<16xi32>
    %add3A_103 = arith.constant 1500000 : i32
    %add3A_104 = vector.broadcast %add3A_103 : i32 to vector<16xi32>
    %add3A_105 = arith.addi %get3A_3, %add3A_104 : vector<16xi32>
    tpu.vector_store_idx %arg6[%add3A_102], %add3A_105 : memref<512xi32, #tpu.memory_space<vmem>>[vector<16xi32>], vector<16xi32>,
    %get3A_106 = arith.constant 16 : index
    %get3A_107 = tpu.vector_load %arg5[%get3A_106] {strides = array<i32>} : memref<32xi32, #tpu.memory_space<vmem>>, vector<16xi32>,
    %add3A_108 = arith.constant 16 : i32
    %add3A_109 = vector.broadcast %add3A_108 : i32 to vector<16xi32>
    %add3A_110 = arith.addi %iota3A, %add3A_109 : vector<16xi32>
    %mul3A_111 = arith.constant 16 : i32
    %mul3A_112 = vector.broadcast %mul3A_111 : i32 to vector<16xi32>
    %mul3A_113 = arith.muli %add3A_110, %mul3A_112 : vector<16xi32>
    %add3A_114 = arith.constant 0 : i32
    %add3A_115 = vector.broadcast %add3A_114 : i32 to vector<16xi32>
    %add3A_116 = arith.addi %mul3A_113, %add3A_115 : vector<16xi32>
    %add3A_117 = arith.constant 0 : i32
    %add3A_118 = vector.broadcast %add3A_117 : i32 to vector<16xi32>
    %add3A_119 = arith.addi %get3A_107, %add3A_118 : vector<16xi32>
    tpu.vector_store_idx %arg6[%add3A_116], %add3A_119 : memref<512xi32, #tpu.memory_space<vmem>>[vector<16xi32>], vector<16xi32>,
    %add3A_120 = arith.constant 1 : i32
    %add3A_121 = vector.broadcast %add3A_120 : i32 to vector<16xi32>
    %add3A_122 = arith.addi %mul3A_113, %add3A_121 : vector<16xi32>
    %add3A_123 = arith.constant 100000 : i32
    %add3A_124 = vector.broadcast %add3A_123 : i32 to vector<16xi32>
    %add3A_125 = arith.addi %get3A_107, %add3A_124 : vector<16xi32>
    tpu.vector_store_idx %arg6[%add3A_122], %add3A_125 : memref<512xi32, #tpu.memory_space<vmem>>[vector<16xi32>], vector<16xi32>,
    %add3A_126 = arith.constant 2 : i32
    %add3A_127 = vector.broadcast %add3A_126 : i32 to vector<16xi32>
    %add3A_128 = arith.addi %mul3A_113, %add3A_127 : vector<16xi32>
    %add3A_129 = arith.constant 200000 : i32
    %add3A_130 = vector.broadcast %add3A_129 : i32 to vector<16xi32>
    %add3A_131 = arith.addi %get3A_107, %add3A_130 : vector<16xi32>
    tpu.vector_store_idx %arg6[%add3A_128], %add3A_131 : memref<512xi32, #tpu.memory_space<vmem>>[vector<16xi32>], vector<16xi32>,
    %add3A_132 = arith.constant 3 : i32
    %add3A_133 = vector.broadcast %add3A_132 : i32 to vector<16xi32>
    %add3A_134 = arith.addi %mul3A_113, %add3A_133 : vector<16xi32>
    %add3A_135 = arith.constant 300000 : i32
    %add3A_136 = vector.broadcast %add3A_135 : i32 to vector<16xi32>
    %add3A_137 = arith.addi %get3A_107, %add3A_136 : vector<16xi32>
    tpu.vector_store_idx %arg6[%add3A_134], %add3A_137 : memref<512xi32, #tpu.memory_space<vmem>>[vector<16xi32>], vector<16xi32>,
    %add3A_138 = arith.constant 4 : i32
    %add3A_139 = vector.broadcast %add3A_138 : i32 to vector<16xi32>
    %add3A_140 = arith.addi %mul3A_113, %add3A_139 : vector<16xi32>
    %add3A_141 = arith.constant 400000 : i32
    %add3A_142 = vector.broadcast %add3A_141 : i32 to vector<16xi32>
    %add3A_143 = arith.addi %get3A_107, %add3A_142 : vector<16xi32>
    tpu.vector_store_idx %arg6[%add3A_140], %add3A_143 : memref<512xi32, #tpu.memory_space<vmem>>[vector<16xi32>], vector<16xi32>,
    %add3A_144 = arith.constant 5 : i32
    %add3A_145 = vector.broadcast %add3A_144 : i32 to vector<16xi32>
    %add3A_146 = arith.addi %mul3A_113, %add3A_145 : vector<16xi32>
    %add3A_147 = arith.constant 500000 : i32
    %add3A_148 = vector.broadcast %add3A_147 : i32 to vector<16xi32>
    %add3A_149 = arith.addi %get3A_107, %add3A_148 : vector<16xi32>
    tpu.vector_store_idx %arg6[%add3A_146], %add3A_149 : memref<512xi32, #tpu.memory_space<vmem>>[vector<16xi32>], vector<16xi32>,
    %add3A_150 = arith.constant 6 : i32
    %add3A_151 = vector.broadcast %add3A_150 : i32 to vector<16xi32>
    %add3A_152 = arith.addi %mul3A_113, %add3A_151 : vector<16xi32>
    %add3A_153 = arith.constant 600000 : i32
    %add3A_154 = vector.broadcast %add3A_153 : i32 to vector<16xi32>
    %add3A_155 = arith.addi %get3A_107, %add3A_154 : vector<16xi32>
    tpu.vector_store_idx %arg6[%add3A_152], %add3A_155 : memref<512xi32, #tpu.memory_space<vmem>>[vector<16xi32>], vector<16xi32>,
    %add3A_156 = arith.constant 7 : i32
    %add3A_157 = vector.broadcast %add3A_156 : i32 to vector<16xi32>
    %add3A_158 = arith.addi %mul3A_113, %add3A_157 : vector<16xi32>
    %add3A_159 = arith.constant 700000 : i32
    %add3A_160 = vector.broadcast %add3A_159 : i32 to vector<16xi32>
    %add3A_161 = arith.addi %get3A_107, %add3A_160 : vector<16xi32>
    tpu.vector_store_idx %arg6[%add3A_158], %add3A_161 : memref<512xi32, #tpu.memory_space<vmem>>[vector<16xi32>], vector<16xi32>,
    %add3A_162 = arith.constant 8 : i32
    %add3A_163 = vector.broadcast %add3A_162 : i32 to vector<16xi32>
    %add3A_164 = arith.addi %mul3A_113, %add3A_163 : vector<16xi32>
    %add3A_165 = arith.constant 800000 : i32
    %add3A_166 = vector.broadcast %add3A_165 : i32 to vector<16xi32>
    %add3A_167 = arith.addi %get3A_107, %add3A_166 : vector<16xi32>
    tpu.vector_store_idx %arg6[%add3A_164], %add3A_167 : memref<512xi32, #tpu.memory_space<vmem>>[vector<16xi32>], vector<16xi32>,
    %add3A_168 = arith.constant 9 : i32
    %add3A_169 = vector.broadcast %add3A_168 : i32 to vector<16xi32>
    %add3A_170 = arith.addi %mul3A_113, %add3A_169 : vector<16xi32>
    %add3A_171 = arith.constant 900000 : i32
    %add3A_172 = vector.broadcast %add3A_171 : i32 to vector<16xi32>
    %add3A_173 = arith.addi %get3A_107, %add3A_172 : vector<16xi32>
    tpu.vector_store_idx %arg6[%add3A_170], %add3A_173 : memref<512xi32, #tpu.memory_space<vmem>>[vector<16xi32>], vector<16xi32>,
    %add3A_174 = arith.constant 10 : i32
    %add3A_175 = vector.broadcast %add3A_174 : i32 to vector<16xi32>
    %add3A_176 = arith.addi %mul3A_113, %add3A_175 : vector<16xi32>
    %add3A_177 = arith.constant 1000000 : i32
    %add3A_178 = vector.broadcast %add3A_177 : i32 to vector<16xi32>
    %add3A_179 = arith.addi %get3A_107, %add3A_178 : vector<16xi32>
    tpu.vector_store_idx %arg6[%add3A_176], %add3A_179 : memref<512xi32, #tpu.memory_space<vmem>>[vector<16xi32>], vector<16xi32>,
    %add3A_180 = arith.constant 11 : i32
    %add3A_181 = vector.broadcast %add3A_180 : i32 to vector<16xi32>
    %add3A_182 = arith.addi %mul3A_113, %add3A_181 : vector<16xi32>
    %add3A_183 = arith.constant 1100000 : i32
    %add3A_184 = vector.broadcast %add3A_183 : i32 to vector<16xi32>
    %add3A_185 = arith.addi %get3A_107, %add3A_184 : vector<16xi32>
    tpu.vector_store_idx %arg6[%add3A_182], %add3A_185 : memref<512xi32, #tpu.memory_space<vmem>>[vector<16xi32>], vector<16xi32>,
    %add3A_186 = arith.constant 12 : i32
    %add3A_187 = vector.broadcast %add3A_186 : i32 to vector<16xi32>
    %add3A_188 = arith.addi %mul3A_113, %add3A_187 : vector<16xi32>
    %add3A_189 = arith.constant 1200000 : i32
    %add3A_190 = vector.broadcast %add3A_189 : i32 to vector<16xi32>
    %add3A_191 = arith.addi %get3A_107, %add3A_190 : vector<16xi32>
    tpu.vector_store_idx %arg6[%add3A_188], %add3A_191 : memref<512xi32, #tpu.memory_space<vmem>>[vector<16xi32>], vector<16xi32>,
    %add3A_192 = arith.constant 13 : i32
    %add3A_193 = vector.broadcast %add3A_192 : i32 to vector<16xi32>
    %add3A_194 = arith.addi %mul3A_113, %add3A_193 : vector<16xi32>
    %add3A_195 = arith.constant 1300000 : i32
    %add3A_196 = vector.broadcast %add3A_195 : i32 to vector<16xi32>
    %add3A_197 = arith.addi %get3A_107, %add3A_196 : vector<16xi32>
    tpu.vector_store_idx %arg6[%add3A_194], %add3A_197 : memref<512xi32, #tpu.memory_space<vmem>>[vector<16xi32>], vector<16xi32>,
    %add3A_198 = arith.constant 14 : i32
    %add3A_199 = vector.broadcast %add3A_198 : i32 to vector<16xi32>
    %add3A_200 = arith.addi %mul3A_113, %add3A_199 : vector<16xi32>
    %add3A_201 = arith.constant 1400000 : i32
    %add3A_202 = vector.broadcast %add3A_201 : i32 to vector<16xi32>
    %add3A_203 = arith.addi %get3A_107, %add3A_202 : vector<16xi32>
    tpu.vector_store_idx %arg6[%add3A_200], %add3A_203 : memref<512xi32, #tpu.memory_space<vmem>>[vector<16xi32>], vector<16xi32>,
    %add3A_204 = arith.constant 15 : i32
    %add3A_205 = vector.broadcast %add3A_204 : i32 to vector<16xi32>
    %add3A_206 = arith.addi %mul3A_113, %add3A_205 : vector<16xi32>
    %add3A_207 = arith.constant 1500000 : i32
    %add3A_208 = vector.broadcast %add3A_207 : i32 to vector<16xi32>
    %add3A_209 = arith.addi %get3A_107, %add3A_208 : vector<16xi32>
    tpu.vector_store_idx %arg6[%add3A_206], %add3A_209 : memref<512xi32, #tpu.memory_space<vmem>>[vector<16xi32>], vector<16xi32>,
    %dma_start3A = arith.constant 0 : i32
    %dma_start3A_210 = tpu.memref_slice %arg2[%dma_start3A] : memref<1600000xf32, #tpu.memory_space<hbm>> -> memref<1600000xf32, #tpu.memory_space<hbm>>
    tpu.enqueue_indirect_dma source(%dma_start3A_210 : memref<1600000xf32, #tpu.memory_space<hbm>>) target(%arg7 : memref<512xf32, #tpu.memory_space<vmem>>) offsets(%arg6 : memref<512xi32, #tpu.memory_space<vmem>>) semaphore(%arg8 : memref<!tpu.dma_semaphore, #tpu.memory_space<semaphore_mem>>)
    %dma_wait3A = arith.constant 0 : i32
    %dma_wait3A_211 = tpu.memref_slice %arg2[%dma_wait3A] : memref<1600000xf32, #tpu.memory_space<hbm>> -> memref<1600000xf32, #tpu.memory_space<hbm>>
    tpu.wait_indirect_dma semaphore(%arg8 : memref<!tpu.dma_semaphore, #tpu.memory_space<semaphore_mem>>) src(%dma_wait3A_211 : memref<1600000xf32, #tpu.memory_space<hbm>>) dst(%arg7 : memref<512xf32, #tpu.memory_space<vmem>>)
    %mul3A_212 = arith.constant 16 : i32
    %mul3A_213 = arith.muli %mul3A_2, %mul3A_212 : i32
    "tpu.region"() ({
      %run_scoped3A = tpu.sem_alloc : memref<!tpu.dma_semaphore, #tpu.memory_space<semaphore_mem>>
      %dma_start3A_214 = tpu.memref_slice %arg4[%mul3A_213] : memref<16384xf32, #tpu.memory_space<hbm>> -> memref<512xf32, #tpu.memory_space<hbm>>
      %dma_start3A_215 = tpu.memref_slice %arg4[%mul3A_213] : memref<16384xf32, #tpu.memory_space<hbm>> -> memref<512xf32, #tpu.memory_space<hbm>>
      tpu.enqueue_dma source(%arg7 : memref<512xf32, #tpu.memory_space<vmem>>) target(%dma_start3A_215 : memref<512xf32, #tpu.memory_space<hbm>>) target_semaphore(%run_scoped3A : memref<!tpu.dma_semaphore, #tpu.memory_space<semaphore_mem>>)
      %dma_wait3A_216 = tpu.memref_slice %arg4[%mul3A_213] : memref<16384xf32, #tpu.memory_space<hbm>> -> memref<512xf32, #tpu.memory_space<hbm>>
      %dma_wait3A_217 = tpu.memref_slice %arg4[%mul3A_213] : memref<16384xf32, #tpu.memory_space<hbm>> -> memref<512xf32, #tpu.memory_space<hbm>>
      tpu.wait_dma2 semaphore(%run_scoped3A : memref<!tpu.dma_semaphore, #tpu.memory_space<semaphore_mem>>) src(%arg7 : memref<512xf32, #tpu.memory_space<vmem>>) dst(%dma_wait3A_217 : memref<512xf32, #tpu.memory_space<hbm>>)
      tpu.yield
    }) : () -> ()
    return
  }
}

module attributes {stable_mosaic.version = 14 : i64} {
  func.func @_proj_body(%arg0: i32, %arg1: memref<16x2304xf32, #tpu.memory_space<vmem>>, %arg2: memref<1024x16xf32, #tpu.memory_space<vmem>>, %arg3: memref<1x2304xf32, #tpu.memory_space<vmem>>, %arg4: memref<2304x1024xf32, #tpu.memory_space<vmem>>) attributes {dimension_semantics = [#tpu.dimension_semantics<arbitrary>], iteration_bounds = array<i64: 44>, scalar_prefetch = 0 : i64, scratch_operands = 0 : i64, tpu.core_type = #tpu.core_type<tc>, window_params = [{transform_indices = @transform_0, window_bounds = array<i64: 16, 2304>}, {pipeline_mode = #tpu.pipeline_mode<synchronous>, transform_indices = @transform_1, window_bounds = array<i64: 1024, 16>}, {transform_indices = @transform_2, window_bounds = array<i64: 1, 2304>}, {transform_indices = @transform_3, window_bounds = array<i64: 2304, 1024>}]} {
    %get3A = arith.constant 0 : index
    %get3A_0 = arith.constant 0 : index
    %get3A_1 = vector.load %arg1[%get3A, %get3A_0] : memref<16x2304xf32, #tpu.memory_space<vmem>>, vector<16x2304xf32>
    %get3A_2 = arith.constant 0 : index
    %get3A_3 = arith.constant 0 : index
    %get3A_4 = vector.load %arg2[%get3A_2, %get3A_3] : memref<1024x16xf32, #tpu.memory_space<vmem>>, vector<1024x16xf32>
    %dot_general3A = arith.constant dense<0.000000e+00> : vector<2304x1024xf32>
    %dot_general3A_5 = tpu.matmul %get3A_1, %get3A_4, %dot_general3A {dimension_numbers = #tpu.dot_dimension_numbers<[0], [1], [1], [0], [0, 1, 1, 0], [], []>, transpose_lhs_hint = false} : vector<16x2304xf32>, vector<1024x16xf32>, vector<2304x1024xf32> -> vector<2304x1024xf32>
    %get3A_6 = arith.constant 0 : index
    %get3A_7 = arith.constant 0 : index
    %get3A_8 = vector.load %arg3[%get3A_6, %get3A_7] : memref<1x2304xf32, #tpu.memory_space<vmem>>, vector<1x2304xf32>
    %transpose3A = tpu.transpose %get3A_8, [1, 0] : vector<1x2304xf32> -> vector<2304x1xf32>
    %add3A = vector.broadcast %transpose3A : vector<2304x1xf32> to vector<2304x1024xf32>
    %add3A_9 = arith.addf %dot_general3A_5, %add3A : vector<2304x1024xf32>
    %swap3A = arith.constant 0 : index
    %swap3A_10 = arith.constant 0 : index
    %swap3A_11 = vector.load %arg4[%swap3A, %swap3A_10] : memref<2304x1024xf32, #tpu.memory_space<vmem>>, vector<2304x1024xf32>
    tpu.vector_store %arg4[%swap3A, %swap3A_10], %add3A_9 {strides = array<i32>} : memref<2304x1024xf32, #tpu.memory_space<vmem>>, vector<2304x1024xf32>,
    return
  }
  func.func @transform_0(%arg0: i32) -> (i32, i32) {
    %c0_i32 = arith.constant 0 : i32
    %c0_i32_0 = arith.constant 0 : i32
    return %c0_i32, %arg0 : i32, i32
  }
  func.func @transform_1(%arg0: i32) -> (i32, i32) {
    %c0_i32 = arith.constant 0 : i32
    %c0_i32_0 = arith.constant 0 : i32
    %c0_i32_1 = arith.constant 0 : i32
    return %c0_i32, %c0_i32_0 : i32, i32
  }
  func.func @transform_2(%arg0: i32) -> (i32, i32) {
    %c0_i32 = arith.constant 0 : i32
    %c0_i32_0 = arith.constant 0 : i32
    return %c0_i32, %arg0 : i32, i32
  }
  func.func @transform_3(%arg0: i32) -> (i32, i32) {
    %c0_i32 = arith.constant 0 : i32
    %c0_i32_0 = arith.constant 0 : i32
    return %arg0, %c0_i32 : i32, i32
  }
}

</mosaic_0001>

<sc_bundles>
// kernel: kernel.4.cloned.1.call-start
scs
__scs_entry_jumppad:
0x0: {  	(pc) =	sbr.rel $0x88, $3  }
0x1: {  	(tag) =	ssettag $0x0;
	lr =	simm.s32 $0x1  }
0x2: {  	[smem:$0x3F9D] =	sst lr;
	_ =	strace $0xD0000000  }
0x3: {  	_ = 	snop  }
0x4: {  	_ = 	snop  }
0x5: {  	_ = 	snop  }
0x6: {  	_ = 	snop  }
0x7: {  	_ = 	snop  }
__scs_overlays_trampoline_lowered:
0x8: {  	[smem:$0x3FAC] =	sst s0  }
0x9: {  	[smem:$0x3FAD] =	sst s1  }
0xa: {  	[smem:$0x3FAE] =	sst s2  }
0xb: {  	[smem:$0x3FAF] =	sst s3  }
0xc: {  	[smem:$0x3FB0] =	sst s4  }
0xd: {  	[smem:$0x3FB1] =	sst s5  }
0xe: {  	[smem:$0x3FB2] =	sst s6  }
0xf: {  	[smem:$0x3FB3] =	sst s7  }
0x10: {  	[smem:$0x3FB4] =	sst s8  }
0x11: {  	[smem:$0x3FB5] =	sst s9;
	s0 =	simm.s32 @!p0 $0x0  }
0x12: {  	s1 =	sld [smem:$0x3F9B];
	s0 =	simm.s32 @p0 $0x1  }
0x13: {  	[smem:$0x3FB6] =	sst s0;
	s0 =	simm.s32 @!p1 $0x0  }
0x14: {  	s2 =	sld [smem:$0x3F9A];
	s0 =	simm.s32 @p1 $0x1  }
0x15: {  	[smem:$0x3FB7] =	sst s0;
	s0 =	simm.s32 @!p2 $0x0  }
0x16: {  	s3 =	sld [smem:$0x3FDB];
	s0 =	simm.s32 @p2 $0x1  }
0x17: {  	s4 =	simm.s32 $0x1BF5;
	[smem:$0x3FB9] =	sst s0  }
0x18: {  	s0 =	sld [smem:$0x3F9C];
	_ =	swait.ge [sflag:s4], $0x0  }
0x19: {  	s7 =	sld [smem:$0x3F9D]  }
0x1a: {  	s8 =	sadd.s32 $0xFFFFE003, lr  }
0x1b: {  	s9 =	sadd.s32 $0xFFFFFEF7, lr;
	s5 =	simm.s32 $0xFFFFFFFF;
	p2 =	slt.u32 s8, $0xFFFFF086  }
0x1c: {  	p1 =	slt.u32 s9, $0xF7A;
	s5 =	simm.s32 @!p2 $0x0  }
0x1d: {  	s5 =	simm.s32 @p1 $0x1;
	p0 =	seq.s32 s7, s2  }
0x1e: {  	s7 =	smul.u32 @!p0 $0xF7A, s2;
	p2 =	seq.s32 @!p0 s5, $0x0  }
0x1f: {  	s9 =	smul.u32 $0xF7A, s1;
	s8 =	simm.s32 @!p0 $0x1BF5;
	p2 =	por !p2, p0  }
0x20: {  	[sflag:s8] =	ssyncset.s32 @!p0 $0xFFFFF086;
	s6 =	sadd.s32 @!p0 s3, s7;
	s7 =	simm.s32 @!p0 $0x108  }
0x21: {  	s3 =	sadd.s32 s3, s9;
	s6 =	sadd.s32 @!p0 $0x88, s6;
	s7 =	simm.s32 @p2 $0x1082  }
0x22: {  	[simem:s7], [sflag:s8] =	dma.local @!p0 [hbm:s6], $0xF7A  }
0x23: {  	s9 =	sor.u32 $0xD0000000, s2;
	s6 =	simm.s32 $0x108;
	_ =	swait.ge @!p0 [sflag:s8], $0x0  }
0x24: {  	s3 =	sadd.s32 $0x88, s3;
	s6 =	simm.s32 @!p1 $0x1082;
	[sflag:s4] =	ssyncset.s32 $0xFFFFF086  }
0x25: {  	[simem:s6], [sflag:s4] =	dma.local [hbm:s3], $0xF7A  }
0x26: {  	[smem:$0x3F9D] =	sst s1;
	(tag) =	ssettag s2;
	_ =	strace s9  }
0x27: {  	s1 =	sld [smem:$0x3FAD]  }
0x28: {  	s2 =	sld [smem:$0x3FAE]  }
0x29: {  	s4 =	sld [smem:$0x3FB0]  }
0x2a: {  	p0 =	seq.s32 s5, $0x0;
	s5 =	sld [smem:$0x3FB1]  }
0x2b: {  	s6 =	sld [smem:$0x3FB2]  }
0x2c: {  	s7 =	sld [smem:$0x3FB3]  }
0x2d: {  	s3 =	simm.s32 $0x108;
	s8 =	sld [smem:$0x3FB4]  }
0x2e: {  	s3 =	simm.s32 @!p0 $0x1082;
	s9 =	sld [smem:$0x3FB5]  }
0x2f: {  	lr =	sadd.s32 s0, s3;
	s0 =	sld [smem:$0x3FAC]  }
0x30: {  	s3 =	sld [smem:$0x3FAF]  }
0x31: {  	[smem:$0x3FB8] =	sst s10  }
0x32: {  	s10 =	sld [smem:$0x3FB6];
	_ =	sdelay $0x3  }
0x33: {  	p0 =	seq.s32 s10, $0x1;
	s10 =	sld [smem:$0x3FB8];
	_ =	sdelay $0x3  }
0x34: {  	[smem:$0x3FB8] =	sst s10  }
0x35: {  	s10 =	sld [smem:$0x3FB7];
	_ =	sdelay $0x3  }
0x36: {  	p1 =	seq.s32 s10, $0x1;
	s10 =	sld [smem:$0x3FB8];
	_ =	sdelay $0x3  }
0x37: {  	[smem:$0x3FB8] =	sst s10  }
0x38: {  	s10 =	sld [smem:$0x3FB9]  }
0x39: {  	_ = 	snop;
	(pc) =	sbr.ind lr, $3  }
0x3a: {  	_ = 	snop  }
0x3b: {  	_ = 	snop  }
0x3c: {  	p2 =	seq.s32 s10, $0x1;
	s10 =	sld [smem:$0x3FB8]  }
0x3d: {  	_ =	shalt  }
0x3e: {  	_ =	shalt  }
0x3f: {  	_ =	shalt  }
0x40: {  	_ =	shalt  }
0x41: {  	_ =	shalt  }
0x42: {  	_ =	shalt  }
0x43: {  	_ =	shalt  }
0x44: {  	_ =	shalt  }
0x45: {  	_ =	shalt  }
0x46: {  	_ =	shalt  }
0x47: {  	_ =	shalt  }
0x48: {  	_ =	shalt  }
0x49: {  	_ =	shalt  }
0x4a: {  	_ =	shalt  }
0x4b: {  	_ =	shalt  }
0x4c: {  	_ =	shalt  }
0x4d: {  	_ =	shalt  }
0x4e: {  	_ =	shalt  }
0x4f: {  	_ =	shalt  }
0x50: {  	_ =	shalt  }
0x51: {  	_ =	shalt  }
0x52: {  	_ =	shalt  }
0x53: {  	_ =	shalt  }
0x54: {  	_ =	shalt  }
0x55: {  	_ =	shalt  }
0x56: {  	_ =	shalt  }
0x57: {  	_ =	shalt  }
0x58: {  	_ =	shalt  }
0x59: {  	_ =	shalt  }
0x5a: {  	_ =	shalt  }
0x5b: {  	_ =	shalt  }
0x5c: {  	_ =	shalt  }
0x5d: {  	_ =	shalt  }
0x5e: {  	_ =	shalt  }
0x5f: {  	_ =	shalt  }
0x60: {  	_ =	shalt  }
0x61: {  	_ =	shalt  }
0x62: {  	_ =	shalt  }
0x63: {  	_ =	shalt  }
0x64: {  	_ =	shalt  }
0x65: {  	_ =	shalt  }
0x66: {  	_ =	shalt  }
0x67: {  	_ =	shalt  }
0x68: {  	_ =	shalt  }
0x69: {  	_ =	shalt  }
0x6a: {  	_ =	shalt  }
0x6b: {  	_ =	shalt  }
0x6c: {  	_ =	shalt  }
0x6d: {  	_ =	shalt  }
0x6e: {  	_ =	shalt  }
0x6f: {  	_ =	shalt  }
0x70: {  	_ =	shalt  }
0x71: {  	_ =	shalt  }
0x72: {  	_ =	shalt  }
0x73: {  	_ =	shalt  }
0x74: {  	_ =	shalt  }
0x75: {  	_ =	shalt  }
0x76: {  	_ =	shalt  }
0x77: {  	_ =	shalt  }
0x78: {  	_ =	shalt  }
0x79: {  	_ =	shalt  }
0x7a: {  	_ =	shalt  }
0x7b: {  	_ =	shalt  }
0x7c: {  	_ =	shalt  }
0x7d: {  	_ =	shalt  }
0x7e: {  	_ =	shalt  }
0x7f: {  	_ =	shalt  }
0x80: {  	_ =	shalt  }
0x81: {  	_ =	shalt  }
0x82: {  	_ =	shalt  }
0x83: {  	_ =	shalt  }
0x84: {  	_ =	shalt  }
0x85: {  	_ =	shalt  }
0x86: {  	_ =	shalt  }
0x87: {  	_ =	shalt  }
.Lfunc_end0:
.L_simem_size_0:
called_computation_lowered:
.L_overlay_start_0:
0x88: {  	s2 =	sld [smem:$0x3FD9]  }
0x89: {  	s3 =	sld [smem:$0x3FFE];
	_ =	sdelay $0x1  }
0x8a: {  	s1 =	srdreg.scid  }
0x8b: {  	s0 =	sand.u32 $0x1, s1  }
0x8c: {  	s17 =	sshll.u32 s0, $0xA;
	s2 =	sadd.s32 s3, s2  }
0x8d: {  	s2 =	sadd.s32 s2, s17  }
0x8e: {  	[smem:$0x3FC4] =	sst s2  }
0x8f: {  	_ = 	snop  }
0x90: {  	s2 =	sld [smem:$0x3FC9]  }
0x91: {  	s18 =	sld [smem:$0x3FD0];
	(tm) =	ssettm $0x1  }
0x92: {  	s4 =	sld [smem:$0x3FFB];
	_ =	sdelay $0x3  }
0x93: {  	_ =	strace s4  }
0x94: {  	s4 =	sld [smem:$0x3FFC];
	_ =	sdelay $0x3  }
0x95: {  	_ =	strace s4  }
0x96: {  	s4 =	sld [smem:$0x3FFD];
	_ =	sdelay $0x3  }
0x97: {  	_ =	strace s4  }
0x98: {  	_ =	strace $0x8FFFFFFF  }
0x99: {  	s19 =	sld [smem:$0x3FDB];
	_ =	sdelay $0x1  }
0x9a: {  	s5 =	simm.s32 $_scs_section_size  }
0x9b: {  	s6 =	simm.s32 $_size__tile_overlayer_lowered;
	s7 =	simm.s32 $_tile_overlayer_lowered  }
0x9c: {  	s22 =	simm.s32 $0x1BFF;
	s21 =	sshll.u32 s7, $0x1;
	s4 =	sadd.s32 s5, s19  }
0x9d: {  	s8 =	simm.s32 $0x0;
	s20 =	sshll.u32 s6, $0x1;
	s6 =	sadd.s32 s21, s4  }
0x9e: {  	[timem:s8], [sflag:s22] =	dma.local [hbm:s6], s20  }
0x9f: {  	_ =	swait.ge [sflag:s22], s20  }
0xa0: {  	s5 =	ssub.s32 $0x0, s20;
	[sflag:s22] =	ssyncset.done $0x0  }
0xa1: {  	[sflag:s22] =	ssyncadd.s32 s5;
	_ =	sdelay $0x1  }
0xa2: {  	s23 =	simm.s32 $0x1B8B  }
0xa3: {  	_ =	swait.ge [sflag:s23], $0x1  }
0xa4: {  	[sflag:s23] =	ssyncset.done $0x0  }
0xa5: {  	s25 =	simm.s32 $0x1B8E;
	s24 =	sld [smem:$0x3FFE];
	[sflag:s23] =	ssyncadd.s32 $0xFFFFFFFF  }
0xa6: {  	s26 =	simm.s32 $execute0_lowered;
	[smem:$0x3FD2] =	sst s25  }
0xa7: {  	s6 =	sshll.u32 s26, $0x1;
	_ =	strace $0x80000046;
	[dreg:$0x1] =	wrdreg $0xFFFFFFFF  }
0xa8: {  	s28 =	simm.s32 $_size_execute0_lowered;
	s4 =	sadd.s32 s4, s6;
	[dreg:$0x0] =	wrdreg $0x0  }
0xa9: {  	s6 =	sshll.u32 s28, $0x1;
	[dreg:$0x2] =	wrdreg s4  }
0xaa: {  	[dreg:$0x3] =	wrdreg s6  }
0xab: {  	[dreg:$0x4] =	wrdreg $0xC0  }
0xac: {  	_ =	task [dreg:s8], $0x5FFFF  }
0xad: {  	[dreg:$0x1] =	wrdreg $0xFFFFFFFF  }
0xae: {  	[dreg:$0x0] =	wrdreg $0x60  }
0xaf: {  	[dreg:$0x2] =	wrdreg s18  }
0xb0: {  	[dreg:$0x3] =	wrdreg s2  }
0xb1: {  	[dreg:$0x4] =	wrdreg s24  }
0xb2: {  	[dreg:$0x5] =	wrdreg $0x9  }
0xb3: {  	_ =	task.clear_ibuf [dreg:s8], $0x6FFFF;
	_ =	strace $0x90000046  }
0xb4: {  	s29 =	simm.s32 $0x9;
	_ =	strace $0x80000048  }
0xb5: {  	_ =	swait.ge [sflag:s29], $0x1  }
0xb6: {  	[sflag:s29] =	ssyncadd.s32 $0xFFFFFFFF  }
0xb7: {  	_ =	strace $0x90000048  }
0xb8: {  	_ =	sfence  }
0xb9: {  	s30 =	sld [smem:$0x0];
	_ =	sdelay $0x2  }
0xba: {  	s31 =	sshll.u32 s1, $0xD;
	s1 =	sshrl.u32 s1, $0x2  }
0xbb: {  	s3 =	sand.u32 $0x4000, s31;
	s1 =	sadd.s32 s1, s30  }
0xbc: {  	s0 =	sor.u32 s3, s0;
	s1 =	sshll.u32 s1, $0x11  }
0xbd: {  	s0 =	sor.u32 s1, s0  }
0xbe: {  	s0 =	sadd.s32 $0x8F2B, s0  }
0xbf: {  	[sflag:s0] =	ssyncadd.remote.s32 $0x1  }
0xc0: {  	_ =	sfence.sel $0xFFFF  }
0xc1: {  	[dreg:$0x0] =	wrdreg $0xFFFFFFFF;
	(pc) =	sbr.abs _section_cstart, $3  }
0xc2: {  	[dreg:$0x1] =	wrdreg $0xFFFFFFFF  }
0xc3: {  	_ =	task.clear_ibuf [dreg:s8], $0x2FFFF;
	_ =	strace $0x9FFFFFFF  }
0xc4: {  	(tm) =	ssettm $0x7FFFFFFF  }
0xc5: {  	_ =	shalt  }
tec
execute0_lowered:
.L_overlay_start_1:
0x0: {  	(tag) =	ssettag $0x1  }
0x1: {  	s2 =	rddreg [dreg:$0x0]  }
0x2: {  	s4 =	rddreg [dreg:$0x1]  }
0x3: {  	s1 =	srdreg.scid;
	s0 =	stileid.u32  }
0x4: {  	s10 =	rddreg [dreg:$0x2];
	s7 =	sand.u32 $0x1, s1;
	s5 =	sshll.u32 s0, $0x1  }
0x5: {  	s3 =	simm.s32 $0x0;
	s1 =	rddreg [dreg:$0x3];
	s11 =	sor.u32 s7, s5  }
0x6: {  	[smem:$0x7FF] =	sst s3;
	s5 =	sshll.u32 s11, $0x2  }
0x7: {  	_ =	strace $0x80000047;
	s5 =	sadd.s32 s4, s5;
	s4 =	simm.s32 $0x2  }
0x8: {  	[tilespmem:s3], [sflag:$0x2] =	stream.linear.gather [hbm4b:s5+s3], $0x20, $0x38;
	[tilespmem:$0x420] =	vst v63  }
0x9: {  	_ =	swait.ge [sflag:s4], $0x20  }
0xa: {  	v0 =	vlaneseq.u32;
	[sflag:s4] =	ssyncset.done $0x0  }
0xb: {  	v0 =	vmul.u32 $0x10, v0;
	[sflag:s4] =	ssyncadd.s32 $0xFFFFFFE0  }
0xc: {  	v16 =	vld [tilespmem:$0x0]  }
0xd: {  	v1 =	vor.u32 $0x1, v0  }
0xe: {  	v2 =	vor.u32 $0x2, v0  }
0xf: {  	v3 =	vor.u32 $0x3, v0  }
0x10: {  	s6 =	simm.s32 $0x20;
	v4 =	vor.u32 $0x4, v0  }
0x11: {  	v5 =	vor.u32 $0x5, v0;
	[tilespmem:v0+s6+$0x0] =	vst.idx.msk $0xffff, v16;
	v7 =	vadd.s32 $0x186A0, v16  }
0x12: {  	v6 =	vor.u32 $0x6, v0;
	v8 =	vadd.s32 $0x30D40, v16;
	[tilespmem:v1+s6+$0x0] =	vst.idx.msk $0xffff, v7  }
0x13: {  	v9 =	vadd.s32 $0x493E0, v16;
	v7 =	vor.u32 $0x7, v0;
	[tilespmem:v2+s6+$0x0] =	vst.idx.msk $0xffff, v8  }
0x14: {  	v10 =	vadd.s32 $0x61A80, v16;
	v8 =	vor.u32 $0x8, v0;
	[tilespmem:v3+s6+$0x0] =	vst.idx.msk $0xffff, v9  }
0x15: {  	v11 =	vadd.s32 $0x7A120, v16;
	v9 =	vor.u32 $0x9, v0;
	[tilespmem:v4+s6+$0x0] =	vst.idx.msk $0xffff, v10  }
0x16: {  	v12 =	vadd.s32 $0x927C0, v16;
	v10 =	vor.u32 $0xA, v0;
	[tilespmem:v5+s6+$0x0] =	vst.idx.msk $0xffff, v11  }
0x17: {  	v13 =	vadd.s32 $0xAAE60, v16;
	v11 =	vor.u32 $0xB, v0;
	[tilespmem:v6+s6+$0x0] =	vst.idx.msk $0xffff, v12  }
0x18: {  	v14 =	vadd.s32 $0xC3500, v16;
	v12 =	vor.u32 $0xC, v0;
	[tilespmem:v7+s6+$0x0] =	vst.idx.msk $0xffff, v13  }
0x19: {  	v15 =	vadd.s32 $0xDBBA0, v16;
	v13 =	vor.u32 $0xD, v0;
	[tilespmem:v8+s6+$0x0] =	vst.idx.msk $0xffff, v14  }
0x1a: {  	v17 =	vadd.s32 $0xF4240, v16;
	v14 =	vor.u32 $0xE, v0;
	[tilespmem:v9+s6+$0x0] =	vst.idx.msk $0xffff, v15  }
0x1b: {  	v15 =	vor.u32 $0xF, v0;
	[tilespmem:v10+s6+$0x0] =	vst.idx.msk $0xffff, v17;
	v17 =	vadd.s32 $0x10C8E0, v16  }
0x1c: {  	[tilespmem:v11+s6+$0x0] =	vst.idx.msk $0xffff, v17;
	v17 =	vadd.s32 $0x124F80, v16  }
0x1d: {  	[tilespmem:v12+s6+$0x0] =	vst.idx.msk $0xffff, v17;
	v17 =	vadd.s32 $0x13D620, v16  }
0x1e: {  	[tilespmem:v13+s6+$0x0] =	vst.idx.msk $0xffff, v17;
	v17 =	vadd.s32 $0x155CC0, v16  }
0x1f: {  	v16 =	vadd.s32 $0x16E360, v16;
	[tilespmem:v14+s6+$0x0] =	vst.idx.msk $0xffff, v17  }
0x20: {  	[tilespmem:v15+s6+$0x0] =	vst.idx.msk $0xffff, v16  }
0x21: {  	v16 =	vor.u32 $0x100, v0;
	v32 =	vld [tilespmem:$0x10]  }
0x22: {  	v17 =	vor.u32 $0x101, v0  }
0x23: {  	v18 =	vor.u32 $0x102, v0  }
0x24: {  	v19 =	vor.u32 $0x103, v0  }
0x25: {  	v20 =	vor.u32 $0x104, v0  }
0x26: {  	v21 =	vor.u32 $0x105, v0;
	[tilespmem:v16+s6+$0x0] =	vst.idx.msk $0xffff, v32;
	v23 =	vadd.s32 $0x186A0, v32  }
0x27: {  	v22 =	vor.u32 $0x106, v0;
	v24 =	vadd.s32 $0x30D40, v32;
	[tilespmem:v17+s6+$0x0] =	vst.idx.msk $0xffff, v23  }
0x28: {  	v25 =	vadd.s32 $0x493E0, v32;
	v23 =	vor.u32 $0x107, v0;
	[tilespmem:v18+s6+$0x0] =	vst.idx.msk $0xffff, v24  }
0x29: {  	v26 =	vadd.s32 $0x61A80, v32;
	v24 =	vor.u32 $0x108, v0;
	[tilespmem:v19+s6+$0x0] =	vst.idx.msk $0xffff, v25  }
0x2a: {  	v27 =	vadd.s32 $0x7A120, v32;
	v25 =	vor.u32 $0x109, v0;
	[tilespmem:v20+s6+$0x0] =	vst.idx.msk $0xffff, v26  }
0x2b: {  	v28 =	vadd.s32 $0x927C0, v32;
	v26 =	vor.u32 $0x10A, v0;
	[tilespmem:v21+s6+$0x0] =	vst.idx.msk $0xffff, v27  }
0x2c: {  	v29 =	vadd.s32 $0xAAE60, v32;
	v27 =	vor.u32 $0x10B, v0;
	[tilespmem:v22+s6+$0x0] =	vst.idx.msk $0xffff, v28  }
0x2d: {  	v30 =	vadd.s32 $0xC3500, v32;
	v28 =	vor.u32 $0x10C, v0;
	[tilespmem:v23+s6+$0x0] =	vst.idx.msk $0xffff, v29  }
0x2e: {  	v31 =	vadd.s32 $0xDBBA0, v32;
	v29 =	vor.u32 $0x10D, v0;
	[tilespmem:v24+s6+$0x0] =	vst.idx.msk $0xffff, v30  }
0x2f: {  	v33 =	vadd.s32 $0xF4240, v32;
	v30 =	vor.u32 $0x10E, v0;
	[tilespmem:v25+s6+$0x0] =	vst.idx.msk $0xffff, v31  }
0x30: {  	v60 =	vadd.s32 $0x10C8E0, v32;
	v31 =	vor.u32 $0x10F, v0;
	[tilespmem:v26+s6+$0x0] =	vst.idx.msk $0xffff, v33  }
0x31: {  	v61 =	vadd.s32 $0x124F80, v32;
	[tilespmem:v27+s6+$0x0] =	vst.idx.msk $0xffff, v60  }
0x32: {  	s12 =	ssub.s32 $0x2, s7;
	v62 =	vadd.s32 $0x13D620, v32;
	[tilespmem:v28+s6+$0x0] =	vst.idx.msk $0xffff, v61  }
0x33: {  	s8 =	simm.s32 $0x220;
	s13 =	sshrl.u32 s12, $0x1;
	v63 =	vadd.s32 $0x155CC0, v32;
	[tilespmem:v29+s6+$0x0] =	vst.idx.msk $0xffff, v62  }
0x34: {  	s9 =	simm.s32 $0x1;
	s11 =	sshll.u32 s11, $0x6;
	s31 =	ssub.s32 s12, s13;
	v32 =	vadd.s32 $0x16E360, v32;
	[tilespmem:v30+s6+$0x0] =	vst.idx.msk $0xffff, v63  }
0x35: {  	s7 =	simm.s32 $0x200;
	s10 =	sadd.s32 s11, s10;
	s11 =	smax.u32 s31, $0x1;
	[tilespmem:v31+s6+$0x0] =	vst.idx.msk $0xffff, v32  }
0x36: {  	[tilespmem:s8], [sflag:$0x1] =	stream.indirect.gather [hbm4b:s2+s7], $0x1, s6, s7, $0xb8;
	[tilespmem:$0x420] =	vst v63  }
0x37: {  	p0 =	sne.s32 s11, $0x1;
	_ =	swait.ge [sflag:s9], $0x200  }
.Ltmp0:
0x38: {  	[sflag:s9] =	ssyncset.done $0x0;
	(pc) =	sbr.rel @!p0 .LBB2_2-.Ltmp0, $4  }
0x39: {  	s10 =	sadd.s32 $0xE00, s10;
	[sflag:s9] =	ssyncadd.s32 $0xFFFFFE00  }
0x3a: {  	[hbm4b:s10+s3] =	stream.linear.scatter [tilespmem:s8], [sflag:$0x2], $0x200, $0x38;
	[tilespmem:$0x420] =	vst v63  }
0x3b: {  	_ =	swait.ge [sflag:s4], $0x200  }
0x3c: {  	s11 =	sadd.s32 $0xFFFFFFFF, s11;
	[sflag:s4] =	ssyncset.done $0x0  }
.LBB2_1:
0x3d: {  	p0 =	sne.s32 s11, $0x1;
	s11 =	sadd.s32 $0xFFFFFFFF, s11;
	[sflag:s4] =	ssyncadd.s32 $0xFFFFFE00  }
0x3e: {  	[tilespmem:s3], [sflag:$0x2] =	stream.linear.gather [hbm4b:s5+s3], $0x20, $0x38;
	[tilespmem:$0x420] =	vst v63  }
0x3f: {  	_ =	swait.ge [sflag:s4], $0x20  }
0x40: {  	[sflag:s4] =	ssyncset.done $0x0  }
0x41: {  	[sflag:s4] =	ssyncadd.s32 $0xFFFFFFE0  }
0x42: {  	v32 =	vld [tilespmem:$0x0];
	_ =	sdelay $0x4  }
0x43: {  	[tilespmem:v0+s6+$0x0] =	vst.idx.msk $0xffff, v32;
	v33 =	vadd.s32 $0x186A0, v32  }
0x44: {  	[tilespmem:v1+s6+$0x0] =	vst.idx.msk $0xffff, v33;
	v33 =	vadd.s32 $0x30D40, v32  }
0x45: {  	[tilespmem:v2+s6+$0x0] =	vst.idx.msk $0xffff, v33;
	v33 =	vadd.s32 $0x493E0, v32  }
0x46: {  	[tilespmem:v3+s6+$0x0] =	vst.idx.msk $0xffff, v33;
	v33 =	vadd.s32 $0x61A80, v32  }
0x47: {  	[tilespmem:v4+s6+$0x0] =	vst.idx.msk $0xffff, v33;
	v33 =	vadd.s32 $0x7A120, v32  }
0x48: {  	[tilespmem:v5+s6+$0x0] =	vst.idx.msk $0xffff, v33;
	v33 =	vadd.s32 $0x927C0, v32  }
0x49: {  	[tilespmem:v6+s6+$0x0] =	vst.idx.msk $0xffff, v33;
	v33 =	vadd.s32 $0xAAE60, v32  }
0x4a: {  	[tilespmem:v7+s6+$0x0] =	vst.idx.msk $0xffff, v33;
	v33 =	vadd.s32 $0xC3500, v32  }
0x4b: {  	[tilespmem:v8+s6+$0x0] =	vst.idx.msk $0xffff, v33;
	v33 =	vadd.s32 $0xDBBA0, v32  }
0x4c: {  	[tilespmem:v9+s6+$0x0] =	vst.idx.msk $0xffff, v33;
	v33 =	vadd.s32 $0xF4240, v32  }
0x4d: {  	[tilespmem:v10+s6+$0x0] =	vst.idx.msk $0xffff, v33;
	v33 =	vadd.s32 $0x10C8E0, v32  }
0x4e: {  	[tilespmem:v11+s6+$0x0] =	vst.idx.msk $0xffff, v33;
	v33 =	vadd.s32 $0x124F80, v32  }
0x4f: {  	[tilespmem:v12+s6+$0x0] =	vst.idx.msk $0xffff, v33;
	v33 =	vadd.s32 $0x13D620, v32  }
0x50: {  	[tilespmem:v13+s6+$0x0] =	vst.idx.msk $0xffff, v33;
	v33 =	vadd.s32 $0x155CC0, v32  }
0x51: {  	v32 =	vadd.s32 $0x16E360, v32;
	[tilespmem:v14+s6+$0x0] =	vst.idx.msk $0xffff, v33  }
0x52: {  	[tilespmem:v15+s6+$0x0] =	vst.idx.msk $0xffff, v32  }
0x53: {  	v32 =	vld [tilespmem:$0x10];
	_ =	sdelay $0x4  }
0x54: {  	[tilespmem:v16+s6+$0x0] =	vst.idx.msk $0xffff, v32;
	v33 =	vadd.s32 $0x186A0, v32  }
0x55: {  	[tilespmem:v17+s6+$0x0] =	vst.idx.msk $0xffff, v33;
	v33 =	vadd.s32 $0x30D40, v32  }
0x56: {  	[tilespmem:v18+s6+$0x0] =	vst.idx.msk $0xffff, v33;
	v33 =	vadd.s32 $0x493E0, v32  }
0x57: {  	[tilespmem:v19+s6+$0x0] =	vst.idx.msk $0xffff, v33;
	v33 =	vadd.s32 $0x61A80, v32  }
0x58: {  	[tilespmem:v20+s6+$0x0] =	vst.idx.msk $0xffff, v33;
	v33 =	vadd.s32 $0x7A120, v32  }
0x59: {  	[tilespmem:v21+s6+$0x0] =	vst.idx.msk $0xffff, v33;
	v33 =	vadd.s32 $0x927C0, v32  }
0x5a: {  	[tilespmem:v22+s6+$0x0] =	vst.idx.msk $0xffff, v33;
	v33 =	vadd.s32 $0xAAE60, v32  }
0x5b: {  	[tilespmem:v23+s6+$0x0] =	vst.idx.msk $0xffff, v33;
	v33 =	vadd.s32 $0xC3500, v32  }
0x5c: {  	[tilespmem:v24+s6+$0x0] =	vst.idx.msk $0xffff, v33;
	v33 =	vadd.s32 $0xDBBA0, v32  }
0x5d: {  	[tilespmem:v25+s6+$0x0] =	vst.idx.msk $0xffff, v33;
	v33 =	vadd.s32 $0xF4240, v32  }
0x5e: {  	[tilespmem:v26+s6+$0x0] =	vst.idx.msk $0xffff, v33;
	v33 =	vadd.s32 $0x10C8E0, v32  }
0x5f: {  	[tilespmem:v27+s6+$0x0] =	vst.idx.msk $0xffff, v33;
	v33 =	vadd.s32 $0x124F80, v32  }
0x60: {  	[tilespmem:v28+s6+$0x0] =	vst.idx.msk $0xffff, v33;
	v33 =	vadd.s32 $0x13D620, v32  }
0x61: {  	[tilespmem:v29+s6+$0x0] =	vst.idx.msk $0xffff, v33;
	v33 =	vadd.s32 $0x155CC0, v32  }
0x62: {  	v32 =	vadd.s32 $0x16E360, v32;
	[tilespmem:v30+s6+$0x0] =	vst.idx.msk $0xffff, v33  }
0x63: {  	[tilespmem:v31+s6+$0x0] =	vst.idx.msk $0xffff, v32  }
0x64: {  	[tilespmem:s8], [sflag:$0x1] =	stream.indirect.gather [hbm4b:s2+s7], $0x1, s6, s7, $0xb8;
	[tilespmem:$0x420] =	vst v63  }
0x65: {  	_ =	swait.ge [sflag:s9], $0x200  }
.Ltmp1:
0x66: {  	[sflag:s9] =	ssyncset.done $0x0;
	(pc) =	sbr.rel @p0 .LBB2_1-.Ltmp1, $4  }
0x67: {  	[sflag:s9] =	ssyncadd.s32 $0xFFFFFE00  }
0x68: {  	[hbm4b:s10+s3] =	stream.linear.scatter [tilespmem:s8], [sflag:$0x2], $0x200, $0x38;
	[tilespmem:$0x420] =	vst v63  }
0x69: {  	_ =	swait.ge [sflag:s4], $0x200  }
0x6a: {  	[sflag:s4] =	ssyncset.done $0x0  }
.LBB2_2:
0x6b: {  	[sflag:s4] =	ssyncadd.s32 $0xFFFFFE00  }
0x6c: {  	_ =	sfence.sel $0x180000  }
0x6d: {  	[bflag:$0x0] =	sbarrier.arrive $0xFFFF  }
0x6e: {  	p0 =	sne.s32 s0, $0x0;
	_ =	strace $0x90000047  }
0x6f: {  	s0 =	sadd.s32 @!p0 $0x100000, s1;
	[bflag:$0x2] =	sbarrier.arrive $0xFFFF  }
0x70: {  	[sflag:s0] =	ssyncadd.tile.s32 @!p0 $0x1;
	_ =	shalt  }
.Lfunc_end2:
_tile_overlayer_lowered:
.L_overlay_start_2:
0x71: {  	(tag) =	ssettag $0x2  }
0x72: {  	s0 =	rddreg [dreg:$0x0];
	s2 =	stileid.u32  }
0x73: {  	s1 =	rddreg [dreg:$0x1];
	p0 =	sne.s32 s2, $0x0  }
0x74: {  	s3 =	rddreg [dreg:$0x2];
	[bflag:$0x3] =	sbarrier.arrive $0xFFFF;
	s2 =	simm.s32 @!p0 $0x1C02  }
0x75: {  	[timem:s3], [sflag:s2] =	dma.local @!p0 [hbm:s0], s1  }
0x76: {  	s0 =	simm.s32 @!p0 $0x2  }
0x77: {  	_ =	swait.ge @!p0 [sflag:s0], s1  }
0x78: {  	s1 =	ssub.s32 @!p0 $0x0, s1;
	[sflag:s0] =	ssyncset.done @!p0 $0x0  }
0x79: {  	[sflag:s0] =	ssyncadd.s32 @!p0 s1  }
0x7a: {  	[bflag:$0x3] =	sbarrier.arrive $0xFFFF  }
0x7b: {  	_ =	shalt  }

</sc_bundles>
